<compile_context>
chip_gen: v7x
topology: tpu7x:2x2x1
jax: 0.10.2.dev20260603
libtpu: 0.0.44.dev20260713+nightly
codegen_flags: <defaults>
</compile_context>

<pallas_src>
import functools

import jax
import jax.numpy as jnp
from jax import lax
from jax.experimental import pallas as pl
from jax.experimental.pallas import tpu as pltpu
from jax.experimental.pallas import tpu_sc as plsc

N = 2048
D = 1024
K = 8192

_info = plsc.get_sparse_core_info()
_NC = _info.num_cores
_NS = _info.num_subcores
_NW = _NC * _NS
_BPW = N // _NW
_NCH = 2
_HPW = _BPW // _NCH


def _sc_gather(codebook, target):
  mesh = plsc.VectorSubcoreMesh(core_axis_name="c", subcore_axis_name="s")

  @functools.partial(
      pl.kernel,
      mesh=mesh,
      out_type=jax.ShapeDtypeStruct((N, D), jnp.float32),
      scratch_types=(
          [pltpu.VMEM((_HPW,), jnp.int32) for _ in range(_NCH)]
          + [pltpu.VMEM((_HPW, D), jnp.float32) for _ in range(_NCH)]
          + [pltpu.SemaphoreType.DMA for _ in range(_NCH)]
      ),
  )
  def k(table_hbm, idx_hbm, out_hbm, *scr):
    idx = scr[:_NCH]
    rows = scr[_NCH:2 * _NCH]
    sems = scr[2 * _NCH:]
    wid = lax.axis_index("s") * _NC + lax.axis_index("c")
    base = wid * _BPW
    for c in range(_NCH):
      pltpu.sync_copy(idx_hbm.at[pl.ds(base + c * _HPW, _HPW)], idx[c])
    cps = [None] * _NCH
    cps[0] = pltpu.async_copy(table_hbm.at[idx[0]], rows[0], sems[0])
    for c in range(_NCH):
      cps[c].wait()
      if c + 1 < _NCH:
        cps[c + 1] = pltpu.async_copy(table_hbm.at[idx[c + 1]],
                                      rows[c + 1], sems[c + 1])
      pltpu.sync_copy(rows[c], out_hbm.at[pl.ds(base + c * _HPW, _HPW)])

  return k(codebook, target)


_BJ = 256


def _loss_body(pred_ref, e_ref, mask_ref, out_ref, p2_ref):
  j = pl.program_id(0)
  nj = pl.num_programs(0)

  @pl.when(j == 0)
  def _():
    p2_ref[...] = jnp.sum(pred_ref[...] * pred_ref[...], axis=1,
                          keepdims=True)
    out_ref[0, 0] = 0.0

  e = e_ref[...]
  g = lax.dot_general(pred_ref[...], e, (((1,), (1,)), ((), ())),
                      preferred_element_type=jnp.float32)
  t2 = jnp.sum(e * e, axis=1)
  d2 = p2_ref[...] + t2[None, :] - 2.0 * g
  d2 = jnp.maximum(d2, 1e-30)
  part = jnp.sum((d2 * lax.rsqrt(d2)) * mask_ref[...])
  acc = out_ref[0, 0] + part

  @pl.when(j < nj - 1)
  def _():
    out_ref[0, 0] = acc

  @pl.when(j == nj - 1)
  def _():
    msum = jnp.sum(mask_ref[...])
    out_ref[0, 0] = acc / (msum * D)


def kernel(pred, target, codebook):
  emb = _sc_gather(codebook, target)
  maskf = (target != -1).astype(jnp.float32).reshape(N, 1)

  out = pl.pallas_call(
      _loss_body,
      grid=(N // _BJ,),
      in_specs=[
          pl.BlockSpec((N, D), lambda j: (0, 0)),
          pl.BlockSpec((_BJ, D), lambda j: (j, 0)),
          pl.BlockSpec((N, 1), lambda j: (0, 0)),
      ],
      out_specs=pl.BlockSpec(memory_space=pltpu.SMEM),
      out_shape=jax.ShapeDtypeStruct((1, 1), jnp.float32),
      scratch_shapes=[pltpu.VMEM((N, 1), jnp.float32)],
  )(pred, emb, maskf)
  return out[0, 0]

# --- scband reference (transcript-rebuilt; emitter-appended) ---
"""Pipeline reference for scband-policy-regression-loss-206158430700 (READ-ONLY COPY).

The authoritative reference and input builder live on the scoring server;
editing this copy changes nothing except your own understanding.
"""

import jax, jax.numpy as jnp
import numpy as np

N = 2048
D = 1024
K = 8192


def setup_inputs(seed: int = 0) -> dict:
    key = jax.random.key(seed)
    k1, k2, k3 = jax.random.split(key, 3)
    pred = jax.random.normal(k1, (N, D), dtype=jnp.float32)
    target = jax.random.randint(k2, (N,), 0, K, dtype=jnp.int32)
    codebook = jax.random.normal(k3, (K, D), dtype=jnp.float32)
    return {"pred": pred, "target": target, "codebook": codebook}


def reference(pred, target, codebook):
    # target_embedding = self.codebook[target]
    target_embedding = jnp.take(codebook, target, axis=0)  # [N, D]
    # distance = torch.cdist(pred, target_embedding)  (p=2 euclidean) -> [N, N]
    p2 = jnp.sum(pred * pred, axis=-1)[:, None]
    t2 = jnp.sum(target_embedding * target_embedding, axis=-1)[None, :]
    d2 = p2 + t2 - 2.0 * (pred @ target_embedding.T)
    distance = jnp.sqrt(jnp.maximum(d2, 0.0))
    # mask = target != ignore_index; distance = distance * mask.unsqueeze(-1)
    # mask[:, None] has shape [N, 1] and broadcasts over the [N, N] distance matrix (row masking)
    mask = (target != -1)
    distance = distance * mask[:, None].astype(distance.dtype)
    total = jnp.sum(distance)
    # reduction == 'mean': divide by mask.sum() * pred.size(-1)
    total = total / (jnp.sum(mask).astype(jnp.float32) * pred.shape[-1])
    return total

if __name__ == "__main__":
    import jax
    _d = setup_inputs()
    print(jax.jit(kernel)(*tuple(_d.values())))

</pallas_src>

<mosaic_0001>
#map = affine_map<(d0, d1) -> (0, 0)>
#map1 = affine_map<(d0, d1) -> (0)>
module attributes {stable_mosaic.version = 14 : i64} {
  func.func @k(%arg0: i32, %arg1: i32, %arg2: memref<8192x1024xf32, #tpu.memory_space<hbm>>, %arg3: memref<2048xi32, #tpu.memory_space<hbm>>, %arg4: memref<2048x1024xf32, #tpu.memory_space<hbm>>, %arg5: memref<32xi32, #tpu.memory_space<vmem>>, %arg6: memref<32xi32, #tpu.memory_space<vmem>>, %arg7: memref<32x1024xf32, #tpu.memory_space<vmem>>, %arg8: memref<32x1024xf32, #tpu.memory_space<vmem>>, %arg9: memref<!tpu.dma_semaphore, #tpu.memory_space<semaphore_mem>>, %arg10: memref<!tpu.dma_semaphore, #tpu.memory_space<semaphore_mem>>) attributes {dimension_semantics = [#tpu.dimension_semantics<core_parallel>, #tpu.dimension_semantics<subcore_parallel>], iteration_bounds = array<i64: 2, 16>, scalar_prefetch = 0 : i64, scratch_operands = 6 : i64, tpu.core_type = #tpu.core_type<sc_vector_subcore>, window_params = [{transform_indices = #map}, {transform_indices = #map1}, {transform_indices = #map}]} {
    %mul3A = arith.constant 2 : i32
    %mul3A_0 = arith.muli %arg1, %mul3A : i32
    %add3A = arith.addi %mul3A_0, %arg0 : i32
    %mul3A_1 = arith.constant 64 : i32
    %mul3A_2 = arith.muli %add3A, %mul3A_1 : i32
    %add3A_3 = arith.constant 0 : i32
    %add3A_4 = arith.addi %mul3A_2, %add3A_3 : i32
    "tpu.region"() ({
      %run_scoped3A = tpu.sem_alloc : memref<!tpu.dma_semaphore, #tpu.memory_space<semaphore_mem>>
      %dma_start3A_21 = tpu.memref_slice %arg3[%add3A_4] : memref<2048xi32, #tpu.memory_space<hbm>> -> memref<32xi32, #tpu.memory_space<hbm>>
      %dma_start3A_22 = tpu.memref_slice %arg3[%add3A_4] : memref<2048xi32, #tpu.memory_space<hbm>> -> memref<32xi32, #tpu.memory_space<hbm>>
      tpu.enqueue_dma source(%dma_start3A_22 : memref<32xi32, #tpu.memory_space<hbm>>) target(%arg5 : memref<32xi32, #tpu.memory_space<vmem>>) target_semaphore(%run_scoped3A : memref<!tpu.dma_semaphore, #tpu.memory_space<semaphore_mem>>)
      %dma_wait3A_23 = tpu.memref_slice %arg3[%add3A_4] : memref<2048xi32, #tpu.memory_space<hbm>> -> memref<32xi32, #tpu.memory_space<hbm>>
      %dma_wait3A_24 = tpu.memref_slice %arg3[%add3A_4] : memref<2048xi32, #tpu.memory_space<hbm>> -> memref<32xi32, #tpu.memory_space<hbm>>
      tpu.wait_dma2 semaphore(%run_scoped3A : memref<!tpu.dma_semaphore, #tpu.memory_space<semaphore_mem>>) src(%dma_wait3A_24 : memref<32xi32, #tpu.memory_space<hbm>>) dst(%arg5 : memref<32xi32, #tpu.memory_space<vmem>>)
      tpu.yield
    }) : () -> ()
    %add3A_5 = arith.constant 32 : i32
    %add3A_6 = arith.addi %mul3A_2, %add3A_5 : i32
    "tpu.region"() ({
      %run_scoped3A = tpu.sem_alloc : memref<!tpu.dma_semaphore, #tpu.memory_space<semaphore_mem>>
      %dma_start3A_21 = tpu.memref_slice %arg3[%add3A_6] : memref<2048xi32, #tpu.memory_space<hbm>> -> memref<32xi32, #tpu.memory_space<hbm>>
      %dma_start3A_22 = tpu.memref_slice %arg3[%add3A_6] : memref<2048xi32, #tpu.memory_space<hbm>> -> memref<32xi32, #tpu.memory_space<hbm>>
      tpu.enqueue_dma source(%dma_start3A_22 : memref<32xi32, #tpu.memory_space<hbm>>) target(%arg6 : memref<32xi32, #tpu.memory_space<vmem>>) target_semaphore(%run_scoped3A : memref<!tpu.dma_semaphore, #tpu.memory_space<semaphore_mem>>)
      %dma_wait3A_23 = tpu.memref_slice %arg3[%add3A_6] : memref<2048xi32, #tpu.memory_space<hbm>> -> memref<32xi32, #tpu.memory_space<hbm>>
      %dma_wait3A_24 = tpu.memref_slice %arg3[%add3A_6] : memref<2048xi32, #tpu.memory_space<hbm>> -> memref<32xi32, #tpu.memory_space<hbm>>
      tpu.wait_dma2 semaphore(%run_scoped3A : memref<!tpu.dma_semaphore, #tpu.memory_space<semaphore_mem>>) src(%dma_wait3A_24 : memref<32xi32, #tpu.memory_space<hbm>>) dst(%arg6 : memref<32xi32, #tpu.memory_space<vmem>>)
      tpu.yield
    }) : () -> ()
    %dma_start3A = arith.constant 0 : i32
    %dma_start3A_7 = arith.constant 0 : i32
    %dma_start3A_8 = tpu.memref_slice %arg2[%dma_start3A, %dma_start3A_7] : memref<8192x1024xf32, #tpu.memory_space<hbm>> -> memref<8192x1024xf32, #tpu.memory_space<hbm>>
    tpu.enqueue_indirect_dma source(%dma_start3A_8 : memref<8192x1024xf32, #tpu.memory_space<hbm>>) target(%arg7 : memref<32x1024xf32, #tpu.memory_space<vmem>>) offsets(%arg5 : memref<32xi32, #tpu.memory_space<vmem>>) semaphore(%arg9 : memref<!tpu.dma_semaphore, #tpu.memory_space<semaphore_mem>>)
    %dma_wait3A = arith.constant 0 : i32
    %dma_wait3A_9 = arith.constant 0 : i32
    %dma_wait3A_10 = tpu.memref_slice %arg2[%dma_wait3A, %dma_wait3A_9] : memref<8192x1024xf32, #tpu.memory_space<hbm>> -> memref<8192x1024xf32, #tpu.memory_space<hbm>>
    tpu.wait_indirect_dma semaphore(%arg9 : memref<!tpu.dma_semaphore, #tpu.memory_space<semaphore_mem>>) src(%dma_wait3A_10 : memref<8192x1024xf32, #tpu.memory_space<hbm>>) dst(%arg7 : memref<32x1024xf32, #tpu.memory_space<vmem>>)
    %dma_start3A_11 = arith.constant 0 : i32
    %dma_start3A_12 = arith.constant 0 : i32
    %dma_start3A_13 = tpu.memref_slice %arg2[%dma_start3A_11, %dma_start3A_12] : memref<8192x1024xf32, #tpu.memory_space<hbm>> -> memref<8192x1024xf32, #tpu.memory_space<hbm>>
    tpu.enqueue_indirect_dma source(%dma_start3A_13 : memref<8192x1024xf32, #tpu.memory_space<hbm>>) target(%arg8 : memref<32x1024xf32, #tpu.memory_space<vmem>>) offsets(%arg6 : memref<32xi32, #tpu.memory_space<vmem>>) semaphore(%arg10 : memref<!tpu.dma_semaphore, #tpu.memory_space<semaphore_mem>>)
    %add3A_14 = arith.constant 0 : i32
    %add3A_15 = arith.addi %mul3A_2, %add3A_14 : i32
    "tpu.region"() ({
      %run_scoped3A = tpu.sem_alloc : memref<!tpu.dma_semaphore, #tpu.memory_space<semaphore_mem>>
      %dma_start3A_21 = arith.constant 0 : i32
      %dma_start3A_22 = tpu.memref_slice %arg4[%add3A_15, %dma_start3A_21] : memref<2048x1024xf32, #tpu.memory_space<hbm>> -> memref<32x1024xf32, #tpu.memory_space<hbm>>
      %dma_start3A_23 = arith.constant 0 : i32
      %dma_start3A_24 = tpu.memref_slice %arg4[%add3A_15, %dma_start3A_23] : memref<2048x1024xf32, #tpu.memory_space<hbm>> -> memref<32x1024xf32, #tpu.memory_space<hbm>>
      tpu.enqueue_dma source(%arg7 : memref<32x1024xf32, #tpu.memory_space<vmem>>) target(%dma_start3A_24 : memref<32x1024xf32, #tpu.memory_space<hbm>>) target_semaphore(%run_scoped3A : memref<!tpu.dma_semaphore, #tpu.memory_space<semaphore_mem>>)
      %dma_wait3A_25 = arith.constant 0 : i32
      %dma_wait3A_26 = tpu.memref_slice %arg4[%add3A_15, %dma_wait3A_25] : memref<2048x1024xf32, #tpu.memory_space<hbm>> -> memref<32x1024xf32, #tpu.memory_space<hbm>>
      %dma_wait3A_27 = arith.constant 0 : i32
      %dma_wait3A_28 = tpu.memref_slice %arg4[%add3A_15, %dma_wait3A_27] : memref<2048x1024xf32, #tpu.memory_space<hbm>> -> memref<32x1024xf32, #tpu.memory_space<hbm>>
      tpu.wait_dma2 semaphore(%run_scoped3A : memref<!tpu.dma_semaphore, #tpu.memory_space<semaphore_mem>>) src(%arg7 : memref<32x1024xf32, #tpu.memory_space<vmem>>) dst(%dma_wait3A_28 : memref<32x1024xf32, #tpu.memory_space<hbm>>)
      tpu.yield
    }) : () -> ()
    %dma_wait3A_16 = arith.constant 0 : i32
    %dma_wait3A_17 = arith.constant 0 : i32
    %dma_wait3A_18 = tpu.memref_slice %arg2[%dma_wait3A_16, %dma_wait3A_17] : memref<8192x1024xf32, #tpu.memory_space<hbm>> -> memref<8192x1024xf32, #tpu.memory_space<hbm>>
    tpu.wait_indirect_dma semaphore(%arg10 : memref<!tpu.dma_semaphore, #tpu.memory_space<semaphore_mem>>) src(%dma_wait3A_18 : memref<8192x1024xf32, #tpu.memory_space<hbm>>) dst(%arg8 : memref<32x1024xf32, #tpu.memory_space<vmem>>)
    %add3A_19 = arith.constant 32 : i32
    %add3A_20 = arith.addi %mul3A_2, %add3A_19 : i32
    "tpu.region"() ({
      %run_scoped3A = tpu.sem_alloc : memref<!tpu.dma_semaphore, #tpu.memory_space<semaphore_mem>>
      %dma_start3A_21 = arith.constant 0 : i32
      %dma_start3A_22 = tpu.memref_slice %arg4[%add3A_20, %dma_start3A_21] : memref<2048x1024xf32, #tpu.memory_space<hbm>> -> memref<32x1024xf32, #tpu.memory_space<hbm>>
      %dma_start3A_23 = arith.constant 0 : i32
      %dma_start3A_24 = tpu.memref_slice %arg4[%add3A_20, %dma_start3A_23] : memref<2048x1024xf32, #tpu.memory_space<hbm>> -> memref<32x1024xf32, #tpu.memory_space<hbm>>
      tpu.enqueue_dma source(%arg8 : memref<32x1024xf32, #tpu.memory_space<vmem>>) target(%dma_start3A_24 : memref<32x1024xf32, #tpu.memory_space<hbm>>) target_semaphore(%run_scoped3A : memref<!tpu.dma_semaphore, #tpu.memory_space<semaphore_mem>>)
      %dma_wait3A_25 = arith.constant 0 : i32
      %dma_wait3A_26 = tpu.memref_slice %arg4[%add3A_20, %dma_wait3A_25] : memref<2048x1024xf32, #tpu.memory_space<hbm>> -> memref<32x1024xf32, #tpu.memory_space<hbm>>
      %dma_wait3A_27 = arith.constant 0 : i32
      %dma_wait3A_28 = tpu.memref_slice %arg4[%add3A_20, %dma_wait3A_27] : memref<2048x1024xf32, #tpu.memory_space<hbm>> -> memref<32x1024xf32, #tpu.memory_space<hbm>>
      tpu.wait_dma2 semaphore(%run_scoped3A : memref<!tpu.dma_semaphore, #tpu.memory_space<semaphore_mem>>) src(%arg8 : memref<32x1024xf32, #tpu.memory_space<vmem>>) dst(%dma_wait3A_28 : memref<32x1024xf32, #tpu.memory_space<hbm>>)
      tpu.yield
    }) : () -> ()
    return
  }
}

module attributes {stable_mosaic.version = 14 : i64} {
  func.func @_loss_body(%arg0: i32, %arg1: memref<2048x1024xf32, #tpu.memory_space<vmem>>, %arg2: memref<256x1024xf32, #tpu.memory_space<vmem>>, %arg3: memref<2048x1xf32, #tpu.memory_space<vmem>>, %arg4: memref<1x1xf32, #tpu.memory_space<smem>>, %arg5: memref<2048x1xf32, #tpu.memory_space<vmem>>) attributes {dimension_semantics = [#tpu.dimension_semantics<arbitrary>], iteration_bounds = array<i64: 8>, scalar_prefetch = 0 : i64, scratch_operands = 1 : i64, tpu.core_type = #tpu.core_type<tc>, window_params = [{pipeline_mode = #tpu.pipeline_mode<synchronous>, transform_indices = @transform_0, window_bounds = array<i64: 2048, 1024>}, {transform_indices = @transform_1, window_bounds = array<i64: 256, 1024>}, {pipeline_mode = #tpu.pipeline_mode<synchronous>, transform_indices = @transform_2, window_bounds = array<i64: 2048, 1>}, {transform_indices = @transform_3, window_bounds = array<i64: 1, 1>}]} {
    %eq3A = arith.constant 0 : i32
    %eq3A_0 = arith.cmpi eq, %arg0, %eq3A : i32
    %convert_element_type3A = arith.extui %eq3A_0 : i1 to i32
    %cond3A = arith.constant 0 : i32
    %cond3A_1 = arith.cmpi ne, %convert_element_type3A, %cond3A : i32
    scf.if %cond3A_1 {
      %get3A_43 = arith.constant 0 : index
      %get3A_44 = arith.constant 0 : index
      %get3A_45 = vector.load %arg1[%get3A_43, %get3A_44] : memref<2048x1024xf32, #tpu.memory_space<vmem>>, vector<2048x1024xf32>
      %get3A_46 = arith.constant 0 : index
      %get3A_47 = arith.constant 0 : index
      %get3A_48 = vector.load %arg1[%get3A_46, %get3A_47] : memref<2048x1024xf32, #tpu.memory_space<vmem>>, vector<2048x1024xf32>
      %mul3A_49 = arith.mulf %get3A_45, %get3A_48 : vector<2048x1024xf32>
      %reduce_sum3A_50 = arith.constant dense<0.000000e+00> : vector<2048xf32>
      %reduce_sum3A_51 = vector.multi_reduction <add>, %mul3A_49, %reduce_sum3A_50 [1] : vector<2048x1024xf32> to vector<2048xf32>
      %broadcast_in_dim3A_52 = vector.shape_cast %reduce_sum3A_51 : vector<2048xf32> to vector<2048x1xf32>
      %swap3A = arith.constant 0 : index
      %swap3A_53 = arith.constant 0 : index
      %swap3A_54 = vector.load %arg5[%swap3A, %swap3A_53] : memref<2048x1xf32, #tpu.memory_space<vmem>>, vector<2048x1xf32>
      tpu.vector_store %arg5[%swap3A, %swap3A_53], %broadcast_in_dim3A_52 {strides = array<i32>} : memref<2048x1xf32, #tpu.memory_space<vmem>>, vector<2048x1xf32>,
      %swap3A_55 = arith.constant 0.000000e+00 : f32
      %swap3A_56 = arith.constant 0 : index
      %swap3A_57 = arith.constant 0 : index
      %swap3A_58 = memref.load %arg4[%swap3A_56, %swap3A_57] : memref<1x1xf32, #tpu.memory_space<smem>>
      memref.store %swap3A_55, %arg4[%swap3A_56, %swap3A_57] : memref<1x1xf32, #tpu.memory_space<smem>>
    } else {
    }
    %get3A = arith.constant 0 : index
    %get3A_2 = arith.constant 0 : index
    %get3A_3 = vector.load %arg2[%get3A, %get3A_2] : memref<256x1024xf32, #tpu.memory_space<vmem>>, vector<256x1024xf32>
    %get3A_4 = arith.constant 0 : index
    %get3A_5 = arith.constant 0 : index
    %get3A_6 = vector.load %arg1[%get3A_4, %get3A_5] : memref<2048x1024xf32, #tpu.memory_space<vmem>>, vector<2048x1024xf32>
    %dot_general3A = arith.constant dense<0.000000e+00> : vector<2048x256xf32>
    %dot_general3A_7 = tpu.matmul %get3A_6, %get3A_3, %dot_general3A {dimension_numbers = #tpu.dot_dimension_numbers<[1], [1], [0], [0], [0, 0, 1, 0], [], []>, transpose_lhs_hint = false} : vector<2048x1024xf32>, vector<256x1024xf32>, vector<2048x256xf32> -> vector<2048x256xf32>
    %mul3A = arith.mulf %get3A_3, %get3A_3 : vector<256x1024xf32>
    %reduce_sum3A = arith.constant dense<0.000000e+00> : vector<256xf32>
    %reduce_sum3A_8 = vector.multi_reduction <add>, %mul3A, %reduce_sum3A [1] : vector<256x1024xf32> to vector<256xf32>
    %get3A_9 = arith.constant 0 : index
    %get3A_10 = arith.constant 0 : index
    %get3A_11 = vector.load %arg5[%get3A_9, %get3A_10] : memref<2048x1xf32, #tpu.memory_space<vmem>>, vector<2048x1xf32>
    %broadcast_in_dim3A = vector.shape_cast %reduce_sum3A_8 : vector<256xf32> to vector<1x256xf32>
    %add3A = vector.broadcast %get3A_11 : vector<2048x1xf32> to vector<2048x256xf32>
    %add3A_12 = vector.broadcast %broadcast_in_dim3A : vector<1x256xf32> to vector<2048x256xf32>
    %add3A_13 = arith.addf %add3A, %add3A_12 : vector<2048x256xf32>
    %mul3A_14 = arith.constant 2.000000e+00 : f32
    %mul3A_15 = vector.broadcast %mul3A_14 : f32 to vector<2048x256xf32>
    %mul3A_16 = arith.mulf %mul3A_15, %dot_general3A_7 : vector<2048x256xf32>
    %sub3A = arith.subf %add3A_13, %mul3A_16 : vector<2048x256xf32>
    %max3A = arith.constant 1.000000e-30 : f32
    %max3A_17 = vector.broadcast %max3A : f32 to vector<2048x256xf32>
    %max3A_18 = arith.maximumf %sub3A, %max3A_17 : vector<2048x256xf32>
    %rsqrt3A = math.rsqrt %max3A_18 : vector<2048x256xf32>
    %mul3A_19 = arith.mulf %max3A_18, %rsqrt3A : vector<2048x256xf32>
    %get3A_20 = arith.constant 0 : index
    %get3A_21 = arith.constant 0 : index
    %get3A_22 = vector.load %arg3[%get3A_20, %get3A_21] : memref<2048x1xf32, #tpu.memory_space<vmem>>, vector<2048x1xf32>
    %mul3A_23 = vector.broadcast %get3A_22 : vector<2048x1xf32> to vector<2048x256xf32>
    %mul3A_24 = arith.mulf %mul3A_19, %mul3A_23 : vector<2048x256xf32>
    %reduce_sum3A_25 = vector.shape_cast %mul3A_24 : vector<2048x256xf32> to vector<1x2048x256xf32>
    %reduce_sum3A_26 = arith.constant dense<0.000000e+00> : vector<1xf32>
    %reduce_sum3A_27 = vector.multi_reduction <add>, %reduce_sum3A_25, %reduce_sum3A_26 [1, 2] : vector<1x2048x256xf32> to vector<1xf32>
    %reduce_sum3A_28 = vector.shape_cast %reduce_sum3A_27 : vector<1xf32> to vector<1x1x1xf32>
    %reduce_sum3A_29 = vector.extract %reduce_sum3A_28[0, 0, 0] : f32 from vector<1x1x1xf32>
    %get3A_30 = arith.constant 0 : index
    %get3A_31 = arith.constant 0 : index
    %get3A_32 = memref.load %arg4[%get3A_30, %get3A_31] : memref<1x1xf32, #tpu.memory_space<smem>>
    %add3A_33 = arith.addf %get3A_32, %reduce_sum3A_29 : f32
    %lt3A = arith.constant 7 : i32
    %lt3A_34 = arith.cmpi slt, %arg0, %lt3A : i32
    %convert_element_type3A_35 = arith.extui %lt3A_34 : i1 to i32
    %cond3A_36 = arith.constant 0 : i32
    %cond3A_37 = arith.cmpi ne, %convert_element_type3A_35, %cond3A_36 : i32
    scf.if %cond3A_37 {
      %swap3A = arith.constant 0 : index
      %swap3A_43 = arith.constant 0 : index
      %swap3A_44 = memref.load %arg4[%swap3A, %swap3A_43] : memref<1x1xf32, #tpu.memory_space<smem>>
      memref.store %add3A_33, %arg4[%swap3A, %swap3A_43] : memref<1x1xf32, #tpu.memory_space<smem>>
    } else {
    }
    %eq3A_38 = arith.constant 7 : i32
    %eq3A_39 = arith.cmpi eq, %arg0, %eq3A_38 : i32
    %convert_element_type3A_40 = arith.extui %eq3A_39 : i1 to i32
    %cond3A_41 = arith.constant 0 : i32
    %cond3A_42 = arith.cmpi ne, %convert_element_type3A_40, %cond3A_41 : i32
    scf.if %cond3A_42 {
      %get3A_43 = arith.constant 0 : index
      %get3A_44 = arith.constant 0 : index
      %get3A_45 = vector.load %arg3[%get3A_43, %get3A_44] : memref<2048x1xf32, #tpu.memory_space<vmem>>, vector<2048x1xf32>
      %reduce_sum3A_46 = vector.shape_cast %get3A_45 : vector<2048x1xf32> to vector<1x2048x1xf32>
      %reduce_sum3A_47 = arith.constant dense<0.000000e+00> : vector<1xf32>
      %reduce_sum3A_48 = vector.multi_reduction <add>, %reduce_sum3A_46, %reduce_sum3A_47 [1, 2] : vector<1x2048x1xf32> to vector<1xf32>
      %reduce_sum3A_49 = vector.shape_cast %reduce_sum3A_48 : vector<1xf32> to vector<1x1x1xf32>
      %reduce_sum3A_50 = vector.extract %reduce_sum3A_49[0, 0, 0] : f32 from vector<1x1x1xf32>
      %mul3A_51 = arith.constant 1.024000e+03 : f32
      %mul3A_52 = arith.mulf %reduce_sum3A_50, %mul3A_51 : f32
      %div3A = arith.divf %add3A_33, %mul3A_52 : f32
      %swap3A = arith.constant 0 : index
      %swap3A_53 = arith.constant 0 : index
      %swap3A_54 = memref.load %arg4[%swap3A, %swap3A_53] : memref<1x1xf32, #tpu.memory_space<smem>>
      memref.store %div3A, %arg4[%swap3A, %swap3A_53] : memref<1x1xf32, #tpu.memory_space<smem>>
    } else {
    }
    return
  }
  func.func @transform_0(%arg0: i32) -> (i32, i32) {
    %c0_i32 = arith.constant 0 : i32
    %c0_i32_0 = arith.constant 0 : i32
    %c0_i32_1 = arith.constant 0 : i32
    return %c0_i32, %c0_i32_0 : i32, i32
  }
  func.func @transform_1(%arg0: i32) -> (i32, i32) {
    %c0_i32 = arith.constant 0 : i32
    %c0_i32_0 = arith.constant 0 : i32
    return %arg0, %c0_i32 : i32, i32
  }
  func.func @transform_2(%arg0: i32) -> (i32, i32) {
    %c0_i32 = arith.constant 0 : i32
    %c0_i32_0 = arith.constant 0 : i32
    %c0_i32_1 = arith.constant 0 : i32
    return %c0_i32, %c0_i32_0 : i32, i32
  }
  func.func @transform_3(%arg0: i32) -> (i32, i32) {
    %c0_i32 = arith.constant 0 : i32
    %c0_i32_0 = arith.constant 0 : i32
    %c0_i32_1 = arith.constant 0 : i32
    return %c0_i32, %c0_i32_0 : i32, i32
  }
}

</mosaic_0001>

<sc_bundles>
// kernel: kernel.4.cloned.1.call-start
scs
__scs_entry_jumppad:
0x0: {  	(pc) =	sbr.rel $0x88, $3  }
0x1: {  	(tag) =	ssettag $0x0;
	lr =	simm.s32 $0x1  }
0x2: {  	[smem:$0x3F9E] =	sst lr;
	_ =	strace $0xD0000000  }
0x3: {  	_ = 	snop  }
0x4: {  	_ = 	snop  }
0x5: {  	_ = 	snop  }
0x6: {  	_ = 	snop  }
0x7: {  	_ = 	snop  }
__scs_overlays_trampoline_lowered:
0x8: {  	[smem:$0x3FAD] =	sst s0  }
0x9: {  	[smem:$0x3FAE] =	sst s1  }
0xa: {  	[smem:$0x3FAF] =	sst s2  }
0xb: {  	[smem:$0x3FB0] =	sst s3  }
0xc: {  	[smem:$0x3FB1] =	sst s4  }
0xd: {  	[smem:$0x3FB2] =	sst s5  }
0xe: {  	[smem:$0x3FB3] =	sst s6  }
0xf: {  	[smem:$0x3FB4] =	sst s7  }
0x10: {  	[smem:$0x3FB5] =	sst s8  }
0x11: {  	[smem:$0x3FB6] =	sst s9;
	s0 =	simm.s32 @!p0 $0x0  }
0x12: {  	s1 =	sld [smem:$0x3F9C];
	s0 =	simm.s32 @p0 $0x1  }
0x13: {  	[smem:$0x3FB7] =	sst s0;
	s0 =	simm.s32 @!p1 $0x0  }
0x14: {  	s2 =	sld [smem:$0x3F9B];
	s0 =	simm.s32 @p1 $0x1  }
0x15: {  	[smem:$0x3FB8] =	sst s0;
	s0 =	simm.s32 @!p2 $0x0  }
0x16: {  	s3 =	sld [smem:$0x3FDB];
	s0 =	simm.s32 @p2 $0x1  }
0x17: {  	s4 =	simm.s32 $0x1BF5;
	[smem:$0x3FBA] =	sst s0  }
0x18: {  	s0 =	sld [smem:$0x3F9D];
	_ =	swait.ge [sflag:s4], $0x0  }
0x19: {  	s7 =	sld [smem:$0x3F9E]  }
0x1a: {  	s8 =	sadd.s32 $0xFFFFE003, lr  }
0x1b: {  	s9 =	sadd.s32 $0xFFFFFEF7, lr;
	s5 =	simm.s32 $0xFFFFFFFF;
	p2 =	slt.u32 s8, $0xFFFFF086  }
0x1c: {  	p1 =	slt.u32 s9, $0xF7A;
	s5 =	simm.s32 @!p2 $0x0  }
0x1d: {  	s5 =	simm.s32 @p1 $0x1;
	p0 =	seq.s32 s7, s2  }
0x1e: {  	s7 =	smul.u32 @!p0 $0xF7A, s2;
	p2 =	seq.s32 @!p0 s5, $0x0  }
0x1f: {  	s9 =	smul.u32 $0xF7A, s1;
	s8 =	simm.s32 @!p0 $0x1BF5;
	p2 =	por !p2, p0  }
0x20: {  	[sflag:s8] =	ssyncset.s32 @!p0 $0xFFFFF086;
	s6 =	sadd.s32 @!p0 s3, s7;
	s7 =	simm.s32 @!p0 $0x108  }
0x21: {  	s3 =	sadd.s32 s3, s9;
	s6 =	sadd.s32 @!p0 $0x88, s6;
	s7 =	simm.s32 @p2 $0x1082  }
0x22: {  	[simem:s7], [sflag:s8] =	dma.local @!p0 [hbm:s6], $0xF7A  }
0x23: {  	s9 =	sor.u32 $0xD0000000, s2;
	s6 =	simm.s32 $0x108;
	_ =	swait.ge @!p0 [sflag:s8], $0x0  }
0x24: {  	s3 =	sadd.s32 $0x88, s3;
	s6 =	simm.s32 @!p1 $0x1082;
	[sflag:s4] =	ssyncset.s32 $0xFFFFF086  }
0x25: {  	[simem:s6], [sflag:s4] =	dma.local [hbm:s3], $0xF7A  }
0x26: {  	[smem:$0x3F9E] =	sst s1;
	(tag) =	ssettag s2;
	_ =	strace s9  }
0x27: {  	s1 =	sld [smem:$0x3FAE]  }
0x28: {  	s2 =	sld [smem:$0x3FAF]  }
0x29: {  	s4 =	sld [smem:$0x3FB1]  }
0x2a: {  	p0 =	seq.s32 s5, $0x0;
	s5 =	sld [smem:$0x3FB2]  }
0x2b: {  	s6 =	sld [smem:$0x3FB3]  }
0x2c: {  	s7 =	sld [smem:$0x3FB4]  }
0x2d: {  	s3 =	simm.s32 $0x108;
	s8 =	sld [smem:$0x3FB5]  }
0x2e: {  	s3 =	simm.s32 @!p0 $0x1082;
	s9 =	sld [smem:$0x3FB6]  }
0x2f: {  	lr =	sadd.s32 s0, s3;
	s0 =	sld [smem:$0x3FAD]  }
0x30: {  	s3 =	sld [smem:$0x3FB0]  }
0x31: {  	[smem:$0x3FB9] =	sst s10  }
0x32: {  	s10 =	sld [smem:$0x3FB7];
	_ =	sdelay $0x3  }
0x33: {  	p0 =	seq.s32 s10, $0x1;
	s10 =	sld [smem:$0x3FB9];
	_ =	sdelay $0x3  }
0x34: {  	[smem:$0x3FB9] =	sst s10  }
0x35: {  	s10 =	sld [smem:$0x3FB8];
	_ =	sdelay $0x3  }
0x36: {  	p1 =	seq.s32 s10, $0x1;
	s10 =	sld [smem:$0x3FB9];
	_ =	sdelay $0x3  }
0x37: {  	[smem:$0x3FB9] =	sst s10  }
0x38: {  	s10 =	sld [smem:$0x3FBA]  }
0x39: {  	_ = 	snop;
	(pc) =	sbr.ind lr, $3  }
0x3a: {  	_ = 	snop  }
0x3b: {  	_ = 	snop  }
0x3c: {  	p2 =	seq.s32 s10, $0x1;
	s10 =	sld [smem:$0x3FB9]  }
0x3d: {  	_ =	shalt  }
0x3e: {  	_ =	shalt  }
0x3f: {  	_ =	shalt  }
0x40: {  	_ =	shalt  }
0x41: {  	_ =	shalt  }
0x42: {  	_ =	shalt  }
0x43: {  	_ =	shalt  }
0x44: {  	_ =	shalt  }
0x45: {  	_ =	shalt  }
0x46: {  	_ =	shalt  }
0x47: {  	_ =	shalt  }
0x48: {  	_ =	shalt  }
0x49: {  	_ =	shalt  }
0x4a: {  	_ =	shalt  }
0x4b: {  	_ =	shalt  }
0x4c: {  	_ =	shalt  }
0x4d: {  	_ =	shalt  }
0x4e: {  	_ =	shalt  }
0x4f: {  	_ =	shalt  }
0x50: {  	_ =	shalt  }
0x51: {  	_ =	shalt  }
0x52: {  	_ =	shalt  }
0x53: {  	_ =	shalt  }
0x54: {  	_ =	shalt  }
0x55: {  	_ =	shalt  }
0x56: {  	_ =	shalt  }
0x57: {  	_ =	shalt  }
0x58: {  	_ =	shalt  }
0x59: {  	_ =	shalt  }
0x5a: {  	_ =	shalt  }
0x5b: {  	_ =	shalt  }
0x5c: {  	_ =	shalt  }
0x5d: {  	_ =	shalt  }
0x5e: {  	_ =	shalt  }
0x5f: {  	_ =	shalt  }
0x60: {  	_ =	shalt  }
0x61: {  	_ =	shalt  }
0x62: {  	_ =	shalt  }
0x63: {  	_ =	shalt  }
0x64: {  	_ =	shalt  }
0x65: {  	_ =	shalt  }
0x66: {  	_ =	shalt  }
0x67: {  	_ =	shalt  }
0x68: {  	_ =	shalt  }
0x69: {  	_ =	shalt  }
0x6a: {  	_ =	shalt  }
0x6b: {  	_ =	shalt  }
0x6c: {  	_ =	shalt  }
0x6d: {  	_ =	shalt  }
0x6e: {  	_ =	shalt  }
0x6f: {  	_ =	shalt  }
0x70: {  	_ =	shalt  }
0x71: {  	_ =	shalt  }
0x72: {  	_ =	shalt  }
0x73: {  	_ =	shalt  }
0x74: {  	_ =	shalt  }
0x75: {  	_ =	shalt  }
0x76: {  	_ =	shalt  }
0x77: {  	_ =	shalt  }
0x78: {  	_ =	shalt  }
0x79: {  	_ =	shalt  }
0x7a: {  	_ =	shalt  }
0x7b: {  	_ =	shalt  }
0x7c: {  	_ =	shalt  }
0x7d: {  	_ =	shalt  }
0x7e: {  	_ =	shalt  }
0x7f: {  	_ =	shalt  }
0x80: {  	_ =	shalt  }
0x81: {  	_ =	shalt  }
0x82: {  	_ =	shalt  }
0x83: {  	_ =	shalt  }
0x84: {  	_ =	shalt  }
0x85: {  	_ =	shalt  }
0x86: {  	_ =	shalt  }
0x87: {  	_ =	shalt  }
.Lfunc_end0:
.L_simem_size_0:
called_computation_lowered:
.L_overlay_start_0:
0x88: {  	s2 =	sld [smem:$0x3FD9]  }
0x89: {  	s3 =	sld [smem:$0x3FFE];
	_ =	sdelay $0x1  }
0x8a: {  	s1 =	srdreg.scid  }
0x8b: {  	s0 =	sand.u32 $0x1, s1  }
0x8c: {  	s17 =	sshll.u32 s0, $0xA;
	s2 =	sadd.s32 s3, s2  }
0x8d: {  	s2 =	sadd.s32 s2, s17  }
0x8e: {  	[smem:$0x3FC5] =	sst s2  }
0x8f: {  	_ = 	snop  }
0x90: {  	s2 =	sld [smem:$0x3FC8]  }
0x91: {  	s18 =	sld [smem:$0x3FC7];
	(tm) =	ssettm $0x1  }
0x92: {  	s4 =	sld [smem:$0x3FFB];
	_ =	sdelay $0x3  }
0x93: {  	_ =	strace s4  }
0x94: {  	s4 =	sld [smem:$0x3FFC];
	_ =	sdelay $0x3  }
0x95: {  	_ =	strace s4  }
0x96: {  	s4 =	sld [smem:$0x3FFD];
	_ =	sdelay $0x3  }
0x97: {  	_ =	strace s4  }
0x98: {  	_ =	strace $0x8FFFFFFF  }
0x99: {  	s19 =	sld [smem:$0x3FDB];
	_ =	sdelay $0x1  }
0x9a: {  	s5 =	simm.s32 $_scs_section_size  }
0x9b: {  	s6 =	simm.s32 $_size__tile_overlayer_lowered;
	s7 =	simm.s32 $_tile_overlayer_lowered  }
0x9c: {  	s22 =	simm.s32 $0x1BFF;
	s21 =	sshll.u32 s7, $0x1;
	s4 =	sadd.s32 s5, s19  }
0x9d: {  	s8 =	simm.s32 $0x0;
	s20 =	sshll.u32 s6, $0x1;
	s6 =	sadd.s32 s21, s4  }
0x9e: {  	[timem:s8], [sflag:s22] =	dma.local [hbm:s6], s20  }
0x9f: {  	_ =	swait.ge [sflag:s22], s20  }
0xa0: {  	s5 =	ssub.s32 $0x0, s20;
	[sflag:s22] =	ssyncset.done $0x0  }
0xa1: {  	[sflag:s22] =	ssyncadd.s32 s5;
	_ =	sdelay $0x1  }
0xa2: {  	s23 =	simm.s32 $0x1B8B  }
0xa3: {  	_ =	swait.ge [sflag:s23], $0x1  }
0xa4: {  	[sflag:s23] =	ssyncset.done $0x0  }
0xa5: {  	s25 =	simm.s32 $0x1B8E;
	s24 =	sld [smem:$0x3FFE];
	[sflag:s23] =	ssyncadd.s32 $0xFFFFFFFF  }
0xa6: {  	s26 =	simm.s32 $execute0_lowered;
	[smem:$0x3FD2] =	sst s25  }
0xa7: {  	s6 =	sshll.u32 s26, $0x1;
	_ =	strace $0x80000046;
	[dreg:$0x1] =	wrdreg $0xFFFFFFFF  }
0xa8: {  	s28 =	simm.s32 $_size_execute0_lowered;
	s4 =	sadd.s32 s4, s6;
	[dreg:$0x0] =	wrdreg $0x0  }
0xa9: {  	s6 =	sshll.u32 s28, $0x1;
	[dreg:$0x2] =	wrdreg s4  }
0xaa: {  	[dreg:$0x3] =	wrdreg s6  }
0xab: {  	[dreg:$0x4] =	wrdreg $0xC0  }
0xac: {  	_ =	task [dreg:s8], $0x5FFFF  }
0xad: {  	[dreg:$0x1] =	wrdreg $0xFFFFFFFF  }
0xae: {  	[dreg:$0x0] =	wrdreg $0x60  }
0xaf: {  	[dreg:$0x2] =	wrdreg s18  }
0xb0: {  	[dreg:$0x3] =	wrdreg s2  }
0xb1: {  	[dreg:$0x4] =	wrdreg s24  }
0xb2: {  	[dreg:$0x5] =	wrdreg $0x9  }
0xb3: {  	_ =	task.clear_ibuf [dreg:s8], $0x6FFFF;
	_ =	strace $0x90000046  }
0xb4: {  	s29 =	simm.s32 $0x9;
	_ =	strace $0x80000048  }
0xb5: {  	_ =	swait.ge [sflag:s29], $0x1  }
0xb6: {  	[sflag:s29] =	ssyncadd.s32 $0xFFFFFFFF  }
0xb7: {  	_ =	strace $0x90000048  }
0xb8: {  	_ =	sfence  }
0xb9: {  	s30 =	sld [smem:$0x0];
	_ =	sdelay $0x2  }
0xba: {  	s31 =	sshll.u32 s1, $0xD;
	s1 =	sshrl.u32 s1, $0x2  }
0xbb: {  	s3 =	sand.u32 $0x4000, s31;
	s1 =	sadd.s32 s1, s30  }
0xbc: {  	s0 =	sor.u32 s3, s0;
	s1 =	sshll.u32 s1, $0x11  }
0xbd: {  	s0 =	sor.u32 s1, s0  }
0xbe: {  	s0 =	sadd.s32 $0x8F2B, s0  }
0xbf: {  	[sflag:s0] =	ssyncadd.remote.s32 $0x1  }
0xc0: {  	_ =	sfence.sel $0xFFFF  }
0xc1: {  	[dreg:$0x0] =	wrdreg $0xFFFFFFFF;
	(pc) =	sbr.abs _section_cstart, $3  }
0xc2: {  	[dreg:$0x1] =	wrdreg $0xFFFFFFFF  }
0xc3: {  	_ =	task.clear_ibuf [dreg:s8], $0x2FFFF;
	_ =	strace $0x9FFFFFFF  }
0xc4: {  	(tm) =	ssettm $0x7FFFFFFF  }
0xc5: {  	_ =	shalt  }
tec
execute0_lowered:
.L_overlay_start_1:
0x0: {  	(tag) =	ssettag $0x1  }
0x1: {  	s1 =	rddreg [dreg:$0x0]  }
0x2: {  	s0 =	rddreg [dreg:$0x1];
	s3 =	srdreg.scid  }
0x3: {  	s4 =	rddreg [dreg:$0x2];
	s5 =	sand.u32 $0x1, s3;
	s3 =	simm.s32 $0x0  }
0x4: {  	s13 =	simm.s32 $0x80;
	[smem:$0x7FF] =	sst s3  }
0x5: {  	s14 =	simm.s32 $0x900;
	_ =	strace $0x80000047;
	[dreg:$0x8] =	wrdreg s13  }
0x6: {  	s2 =	stileid.u32;
	s15 =	simm.s32 $0x1100;
	[dreg:$0x9] =	wrdreg s14  }
0x7: {  	s16 =	simm.s32 $0x1900;
	s18 =	simm.s32 $0x2100;
	[dreg:$0xa] =	wrdreg s15  }
0x8: {  	s19 =	simm.s32 $0x2900;
	s21 =	simm.s32 $0x3100;
	[dreg:$0xb] =	wrdreg s16  }
0x9: {  	s22 =	simm.s32 $0x3900;
	s23 =	simm.s32 $0x4100;
	[dreg:$0xc] =	wrdreg s18  }
0xa: {  	s24 =	simm.s32 $0x4900;
	s25 =	simm.s32 $0x5100;
	[dreg:$0xd] =	wrdreg s19  }
0xb: {  	s26 =	simm.s32 $0x5900;
	s28 =	simm.s32 $0xE100;
	[dreg:$0xe] =	wrdreg s21  }
0xc: {  	s29 =	simm.s32 $0xE900;
	s30 =	simm.s32 $0xF100;
	[dreg:$0xf] =	wrdreg s22  }
0xd: {  	s31 =	simm.s32 $0xF900;
	s6 =	sshll.u32 s2, $0x7;
	[dreg:$0x10] =	wrdreg s23  }
0xe: {  	s4 =	sadd.s32 $0xA00, s4;
	s7 =	sshll.u32 s5, $0x6;
	[dreg:$0x11] =	wrdreg s24  }
0xf: {  	s17 =	ssub.s32 $0x2, s5;
	s6 =	sor.u32 s7, s6;
	[dreg:$0x12] =	wrdreg s25  }
0x10: {  	s5 =	sshrl.u32 s17, $0x1;
	[dreg:$0x13] =	wrdreg s26;
	s13 =	simm.s32 $0x7900  }
0x11: {  	s14 =	simm.s32 $0x1;
	s15 =	simm.s32 $0x8100;
	s16 =	simm.s32 $0x8900  }
0x12: {  	s18 =	simm.s32 $0x9900;
	s19 =	simm.s32 $0xA100;
	s21 =	simm.s32 $0xB100  }
0x13: {  	s22 =	simm.s32 $0xB900;
	s23 =	simm.s32 $0xC100;
	s24 =	simm.s32 $0xC900  }
0x14: {  	s25 =	simm.s32 $0xD100;
	s26 =	simm.s32 $0xD900;
	s7 =	sshrl.u32 s6, $0x3  }
0x15: {  	s8 =	sor.u32 $0x20, s6;
	s6 =	sshll.u32 s6, $0x7;
	s20 =	ssub.s32 s17, s5  }
0x16: {  	s5 =	sadd.s32 $0x200, s1;
	s17 =	simm.s32 $0x9100;
	s7 =	sadd.s32 s0, s7  }
0x17: {  	s9 =	sshrl.u32 s8, $0x3;
	s10 =	sadd.s32 s4, s6;
	s11 =	sshll.u32 s8, $0x7  }
0x18: {  	s6 =	sadd.s32 $0x300, s1;
	s8 =	simm.s32 $0x3;
	[dreg:$0x4] =	wrdreg s7  }
0x19: {  	s0 =	sadd.s32 s0, s9;
	[dreg:$0x6] =	wrdreg s10;
	s12 =	sadd.s32 s4, s11  }
0x1a: {  	v2 =	vlaneseq.u32;
	s4 =	sadd.s32 $0x100, s1;
	s7 =	smax.u32 s20, $0x1;
	s9 =	simm.s32 $0x100  }
0x1b: {  	vm0 =	vmmov $0xffff;
	v1 =	vshrl.u32 v2, $0x3;
	s11 =	simm.s32 $0x6900;
	s20 =	simm.s32 $0xA900;
	[dreg:$0x5] =	wrdreg s0  }
0x1c: {  	v0 =	vand.u32 $0x7, v2;
	v2 =	vor.u32 $0x8, v2;
	v1 =	vmul.u32 $0x8, v1;
	[dreg:$0x7] =	wrdreg s12;
	s12 =	simm.s32 $0x7100;
	s0 =	simm.s32 $0x2  }
.LBB2_1:
0x1d: {  	s2 =	rddreg [dreg:$0x4]  }
0x1e: {  	[tilespmem:s3], [sflag:$0x3] =	stream.linear.gather [hbm4b:s2+s3], $0x20, $0x38;
	[tilespmem:$0x10100] =	vst v63  }
0x1f: {  	_ =	swait.ge [sflag:s8], $0x20  }
0x20: {  	s2 =	rddreg [dreg:$0x5];
	[sflag:s8] =	ssyncset.done $0x0  }
0x21: {  	s10 =	rddreg [dreg:$0x8];
	[sflag:s8] =	ssyncadd.s32 $0xFFFFFFE0  }
0x22: {  	[tilespmem:s10], [sflag:$0x3] =	stream.linear.gather [hbm4b:s2+s3], $0x20, $0x38;
	[tilespmem:$0x10100] =	vst v63  }
0x23: {  	_ =	swait.ge [sflag:s8], $0x20  }
0x24: {  	[sflag:s8] =	ssyncset.done $0x0  }
0x25: {  	[sflag:s8] =	ssyncadd.s32 $0xFFFFFFE0  }
0x26: {  	v3 =	vld [tilespmem:$0x0];
	_ =	sdelay $0x4  }
0x27: {  	v4 =	vshll.u32 v3, $0x3  }
0x28: {  	v3 =	vand.u32 $0x7, v3;
	v4 =	vand.u32 $0xFFFFFFC0, v4  }
0x29: {  	v3 =	vor.u32 v3, v4  }
0x2a: {  	v4 =	vperm.xlane v3, v0;
	_ =	sdelay $0x1  }
0x2b: {  	v4 =	vadd.s32 v1, v4;
	_ =	sdelay $0x4  }
0x2c: {  	[tilespmem:s9], [sflag:$0x1] =	stream.indirect_vreg.gather [hbm4b:s1+s3], $0x80, v4, vm0, $0xb8;
	[tilespmem:$0x10100] =	vst v63  }
0x2d: {  	s2 =	rddreg [dreg:$0x9];
	v3 =	vperm.xlane v3, v2  }
0x2e: {  	[tilespmem:s2], [sflag:$0x1] =	stream.indirect_vreg.gather [hbm4b:s4+s3], $0x80, v4, vm0, $0xb8;
	[tilespmem:$0x10100] =	vst v63  }
0x2f: {  	s10 =	rddreg [dreg:$0xa];
	v3 =	vadd.s32 v1, v3  }
0x30: {  	[tilespmem:s10], [sflag:$0x1] =	stream.indirect_vreg.gather [hbm4b:s5+s3], $0x80, v4, vm0, $0xb8;
	[tilespmem:$0x10100] =	vst v63  }
0x31: {  	s2 =	rddreg [dreg:$0xb]  }
0x32: {  	[tilespmem:s2], [sflag:$0x1] =	stream.indirect_vreg.gather [hbm4b:s6+s3], $0x80, v4, vm0, $0xb8;
	[tilespmem:$0x10100] =	vst v63  }
0x33: {  	s10 =	rddreg [dreg:$0xc]  }
0x34: {  	[tilespmem:s10], [sflag:$0x1] =	stream.indirect_vreg.gather [hbm4b:s1+s3], $0x80, v3, vm0, $0xb8;
	[tilespmem:$0x10100] =	vst v63  }
0x35: {  	s2 =	rddreg [dreg:$0xd]  }
0x36: {  	[tilespmem:s2], [sflag:$0x1] =	stream.indirect_vreg.gather [hbm4b:s4+s3], $0x80, v3, vm0, $0xb8;
	[tilespmem:$0x10100] =	vst v63  }
0x37: {  	s10 =	rddreg [dreg:$0xe]  }
0x38: {  	[tilespmem:s10], [sflag:$0x1] =	stream.indirect_vreg.gather [hbm4b:s5+s3], $0x80, v3, vm0, $0xb8;
	[tilespmem:$0x10100] =	vst v63  }
0x39: {  	s2 =	rddreg [dreg:$0xf]  }
0x3a: {  	[tilespmem:s2], [sflag:$0x1] =	stream.indirect_vreg.gather [hbm4b:s6+s3], $0x80, v3, vm0, $0xb8;
	[tilespmem:$0x10100] =	vst v63  }
0x3b: {  	v3 =	vld [tilespmem:$0x10];
	_ =	sdelay $0x4  }
0x3c: {  	v61 =	vshll.u32 v3, $0x3  }
0x3d: {  	v3 =	vand.u32 $0x7, v3;
	v4 =	vand.u32 $0xFFFFFFC0, v61  }
0x3e: {  	v3 =	vor.u32 v3, v4  }
0x3f: {  	v4 =	vperm.xlane v3, v0;
	_ =	sdelay $0x1  }
0x40: {  	v4 =	vadd.s32 v1, v4;
	_ =	sdelay $0x3  }
0x41: {  	s2 =	rddreg [dreg:$0x10]  }
0x42: {  	[tilespmem:s2], [sflag:$0x1] =	stream.indirect_vreg.gather [hbm4b:s1+s3], $0x80, v4, vm0, $0xb8;
	[tilespmem:$0x10100] =	vst v63  }
0x43: {  	s10 =	rddreg [dreg:$0x11];
	v3 =	vperm.xlane v3, v2  }
0x44: {  	[tilespmem:s10], [sflag:$0x1] =	stream.indirect_vreg.gather [hbm4b:s4+s3], $0x80, v4, vm0, $0xb8;
	[tilespmem:$0x10100] =	vst v63  }
0x45: {  	v3 =	vadd.s32 v1, v3;
	s2 =	rddreg [dreg:$0x12]  }
0x46: {  	[tilespmem:s2], [sflag:$0x1] =	stream.indirect_vreg.gather [hbm4b:s5+s3], $0x80, v4, vm0, $0xb8;
	[tilespmem:$0x10100] =	vst v63  }
0x47: {  	s10 =	rddreg [dreg:$0x13]  }
0x48: {  	[tilespmem:s10], [sflag:$0x1] =	stream.indirect_vreg.gather [hbm4b:s6+s3], $0x80, v4, vm0, $0xb8;
	[tilespmem:$0x10100] =	vst v63  }
0x49: {  	s10 =	simm.s32 $0x6100  }
0x4a: {  	[tilespmem:s10], [sflag:$0x1] =	stream.indirect_vreg.gather [hbm4b:s1+s3], $0x80, v3, vm0, $0xb8;
	[tilespmem:$0x10100] =	vst v63  }
0x4b: {  	_ = 	snop  }
0x4c: {  	[tilespmem:s11], [sflag:$0x1] =	stream.indirect_vreg.gather [hbm4b:s4+s3], $0x80, v3, vm0, $0xb8;
	[tilespmem:$0x10100] =	vst v63  }
0x4d: {  	_ = 	snop  }
0x4e: {  	[tilespmem:s12], [sflag:$0x1] =	stream.indirect_vreg.gather [hbm4b:s5+s3], $0x80, v3, vm0, $0xb8;
	[tilespmem:$0x10100] =	vst v63  }
0x4f: {  	_ = 	snop  }
0x50: {  	[tilespmem:s13], [sflag:$0x1] =	stream.indirect_vreg.gather [hbm4b:s6+s3], $0x80, v3, vm0, $0xb8;
	[tilespmem:$0x10100] =	vst v63  }
0x51: {  	_ =	swait.ge [sflag:s14], $0x8000  }
0x52: {  	[sflag:s14] =	ssyncset.done $0x0  }
0x53: {  	[sflag:s14] =	ssyncadd.s32 $0xFFFF8000  }
0x54: {  	v3 =	vld [tilespmem:$0x80];
	_ =	sdelay $0x4  }
0x55: {  	v62 =	vshll.u32 v3, $0x3  }
0x56: {  	v3 =	vand.u32 $0x7, v3;
	v4 =	vand.u32 $0xFFFFFFC0, v62  }
0x57: {  	v3 =	vor.u32 v3, v4  }
0x58: {  	v4 =	vperm.xlane v3, v0;
	_ =	sdelay $0x1  }
0x59: {  	v4 =	vadd.s32 v1, v4;
	_ =	sdelay $0x4  }
0x5a: {  	[tilespmem:s15], [sflag:$0x2] =	stream.indirect_vreg.gather [hbm4b:s1+s3], $0x80, v4, vm0, $0xb8;
	[tilespmem:$0x10100] =	vst v63  }
0x5b: {  	v3 =	vperm.xlane v3, v2  }
0x5c: {  	[tilespmem:s16], [sflag:$0x2] =	stream.indirect_vreg.gather [hbm4b:s4+s3], $0x80, v4, vm0, $0xb8;
	[tilespmem:$0x10100] =	vst v63  }
0x5d: {  	v3 =	vadd.s32 v1, v3  }
0x5e: {  	[tilespmem:s17], [sflag:$0x2] =	stream.indirect_vreg.gather [hbm4b:s5+s3], $0x80, v4, vm0, $0xb8;
	[tilespmem:$0x10100] =	vst v63  }
0x5f: {  	_ = 	snop  }
0x60: {  	[tilespmem:s18], [sflag:$0x2] =	stream.indirect_vreg.gather [hbm4b:s6+s3], $0x80, v4, vm0, $0xb8;
	[tilespmem:$0x10100] =	vst v63  }
0x61: {  	_ = 	snop  }
0x62: {  	[tilespmem:s19], [sflag:$0x2] =	stream.indirect_vreg.gather [hbm4b:s1+s3], $0x80, v3, vm0, $0xb8;
	[tilespmem:$0x10100] =	vst v63  }
0x63: {  	_ = 	snop  }
0x64: {  	[tilespmem:s20], [sflag:$0x2] =	stream.indirect_vreg.gather [hbm4b:s4+s3], $0x80, v3, vm0, $0xb8;
	[tilespmem:$0x10100] =	vst v63  }
0x65: {  	_ = 	snop  }
0x66: {  	[tilespmem:s21], [sflag:$0x2] =	stream.indirect_vreg.gather [hbm4b:s5+s3], $0x80, v3, vm0, $0xb8;
	[tilespmem:$0x10100] =	vst v63  }
0x67: {  	_ = 	snop  }
0x68: {  	[tilespmem:s22], [sflag:$0x2] =	stream.indirect_vreg.gather [hbm4b:s6+s3], $0x80, v3, vm0, $0xb8;
	[tilespmem:$0x10100] =	vst v63  }
0x69: {  	v3 =	vld [tilespmem:$0x90];
	_ =	sdelay $0x4  }
0x6a: {  	v63 =	vshll.u32 v3, $0x3  }
0x6b: {  	v3 =	vand.u32 $0x7, v3;
	v4 =	vand.u32 $0xFFFFFFC0, v63  }
0x6c: {  	v3 =	vor.u32 v3, v4  }
0x6d: {  	v4 =	vperm.xlane v3, v0;
	_ =	sdelay $0x1  }
0x6e: {  	v4 =	vadd.s32 v1, v4;
	_ =	sdelay $0x4  }
0x6f: {  	[tilespmem:s23], [sflag:$0x2] =	stream.indirect_vreg.gather [hbm4b:s1+s3], $0x80, v4, vm0, $0xb8;
	[tilespmem:$0x10100] =	vst v63  }
0x70: {  	v3 =	vperm.xlane v3, v2  }
0x71: {  	[tilespmem:s24], [sflag:$0x2] =	stream.indirect_vreg.gather [hbm4b:s4+s3], $0x80, v4, vm0, $0xb8;
	[tilespmem:$0x10100] =	vst v63  }
0x72: {  	v3 =	vadd.s32 v1, v3  }
0x73: {  	[tilespmem:s25], [sflag:$0x2] =	stream.indirect_vreg.gather [hbm4b:s5+s3], $0x80, v4, vm0, $0xb8;
	[tilespmem:$0x10100] =	vst v63  }
0x74: {  	_ = 	snop  }
0x75: {  	[tilespmem:s26], [sflag:$0x2] =	stream.indirect_vreg.gather [hbm4b:s6+s3], $0x80, v4, vm0, $0xb8;
	[tilespmem:$0x10100] =	vst v63  }
0x76: {  	_ = 	snop  }
0x77: {  	[tilespmem:s28], [sflag:$0x2] =	stream.indirect_vreg.gather [hbm4b:s1+s3], $0x80, v3, vm0, $0xb8;
	[tilespmem:$0x10100] =	vst v63  }
0x78: {  	_ = 	snop  }
0x79: {  	[tilespmem:s29], [sflag:$0x2] =	stream.indirect_vreg.gather [hbm4b:s4+s3], $0x80, v3, vm0, $0xb8;
	[tilespmem:$0x10100] =	vst v63  }
0x7a: {  	_ = 	snop  }
0x7b: {  	[tilespmem:s30], [sflag:$0x2] =	stream.indirect_vreg.gather [hbm4b:s5+s3], $0x80, v3, vm0, $0xb8;
	[tilespmem:$0x10100] =	vst v63  }
0x7c: {  	_ = 	snop  }
0x7d: {  	[tilespmem:s31], [sflag:$0x2] =	stream.indirect_vreg.gather [hbm4b:s6+s3], $0x80, v3, vm0, $0xb8;
	[tilespmem:$0x10100] =	vst v63  }
0x7e: {  	s10 =	rddreg [dreg:$0x6]  }
0x7f: {  	[hbm4b:s10+s3] =	stream.linear.scatter [tilespmem:s9], [sflag:$0x3], $0x8000, $0x38;
	[tilespmem:$0x10100] =	vst v63  }
0x80: {  	_ =	swait.ge [sflag:s8], $0x8000  }
0x81: {  	[sflag:s8] =	ssyncset.done $0x0  }
0x82: {  	[sflag:s8] =	ssyncadd.s32 $0xFFFF8000  }
0x83: {  	_ =	swait.ge [sflag:s0], $0x8000  }
0x84: {  	p0 =	sne.s32 s7, $0x1;
	[sflag:s0] =	ssyncset.done $0x0  }
.Ltmp0:
0x85: {  	s10 =	rddreg [dreg:$0x7];
	[sflag:s0] =	ssyncadd.s32 $0xFFFF8000;
	(pc) =	sbr.rel @p0 .LBB2_1-.Ltmp0, $4  }
0x86: {  	[hbm4b:s10+s3] =	stream.linear.scatter [tilespmem:s15], [sflag:$0x3], $0x8000, $0x38;
	[tilespmem:$0x10100] =	vst v63  }
0x87: {  	_ =	swait.ge [sflag:s8], $0x8000  }
0x88: {  	[sflag:s8] =	ssyncset.done $0x0  }
0x89: {  	s7 =	sadd.s32 $0xFFFFFFFF, s7;
	[sflag:s8] =	ssyncadd.s32 $0xFFFF8000  }
0x8a: {  	_ =	sfence.sel $0x180000  }
0x8b: {  	[bflag:$0x0] =	sbarrier.arrive $0xFFFF  }
0x8c: {  	_ =	strace $0x90000047  }
0x8d: {  	s0 =	stileid.u32;
	[bflag:$0x2] =	sbarrier.arrive $0xFFFF  }
0x8e: {  	p0 =	sne.s32 s0, $0x0;
	s0 =	rddreg [dreg:$0x3]  }
0x8f: {  	s0 =	sadd.s32 @!p0 $0x100000, s0  }
0x90: {  	[sflag:s0] =	ssyncadd.tile.s32 @!p0 $0x1;
	_ =	shalt  }
.Lfunc_end2:
_tile_overlayer_lowered:
.L_overlay_start_2:
0x91: {  	(tag) =	ssettag $0x2  }
0x92: {  	s0 =	rddreg [dreg:$0x0];
	s2 =	stileid.u32  }
0x93: {  	s1 =	rddreg [dreg:$0x1];
	p0 =	sne.s32 s2, $0x0  }
0x94: {  	s3 =	rddreg [dreg:$0x2];
	[bflag:$0x3] =	sbarrier.arrive $0xFFFF;
	s2 =	simm.s32 @!p0 $0x1C03  }
0x95: {  	[timem:s3], [sflag:s2] =	dma.local @!p0 [hbm:s0], s1  }
0x96: {  	s0 =	simm.s32 @!p0 $0x3  }
0x97: {  	_ =	swait.ge @!p0 [sflag:s0], s1  }
0x98: {  	s1 =	ssub.s32 @!p0 $0x0, s1;
	[sflag:s0] =	ssyncset.done @!p0 $0x0  }
0x99: {  	[sflag:s0] =	ssyncadd.s32 @!p0 s1  }
0x9a: {  	[bflag:$0x3] =	sbarrier.arrive $0xFFFF  }
0x9b: {  	_ =	shalt  }

</sc_bundles>
